<compile_context>
chip_gen: v7x
topology: tpu7x:2x2x1
jax: 0.10.2.dev20260603
libtpu: 0.0.44.dev20260713+nightly
codegen_flags: <defaults>
</compile_context>

<pallas_src>
import jax
import jax.numpy as jnp
from jax import lax
from jax.experimental import pallas as pl

B = 256
CW_DIM = 2048
ED = 64
K = 1024
DC = CW_DIM // ED
DPS = 2
STEPS = DC // DPS


def _vq_step(cwq_ref, cb_ref, x2_ref, c2_ref, oh_ref, cw_ref):
    d2 = pl.program_id(0)
    row = lax.broadcasted_iota(jnp.int32, (DC, DPS), 0)
    col = lax.broadcasted_iota(jnp.int32, (DC, DPS), 1)
    sel = (row == DPS * d2 + col).astype(jnp.float32)
    x2pair = lax.dot_general(x2_ref[...], sel, (((1,), (0,)), ((), ())),
                             precision=lax.Precision.HIGHEST,
                             preferred_element_type=jnp.float32)
    iota = lax.broadcasted_iota(jnp.int32, (B, K), 1)
    for j in range(DPS):
        x = cwq_ref[:, j * ED:(j + 1) * ED]
        cb = cb_ref[j]
        c2 = c2_ref[j]
        xc = lax.dot_general(x, cb, (((1,), (1,)), ((), ())),
                             preferred_element_type=jnp.float32)
        dist = x2pair[:, j:j + 1] - 2.0 * xc + c2
        m = jnp.min(dist, axis=1, keepdims=True)
        idx = jnp.min(jnp.where(dist == m, iota, K), axis=1, keepdims=True)
        oh = (iota == idx).astype(jnp.float32)
        oh_ref[:, j * K:(j + 1) * K] = oh
        cwe = lax.dot_general(oh, cb, (((1,), (0,)), ((), ())),
                              preferred_element_type=jnp.float32)
        cw_ref[:, j * ED:(j + 1) * ED] = x + (cwe - x)


def kernel(cw_q, codebook):
    x = cw_q.reshape(B, DC, ED)
    x2 = jnp.sum(x * x, axis=-1)
    c2 = jnp.sum(codebook * codebook, axis=-1)[:, None, :]

    oh_flat, cw = pl.pallas_call(
        _vq_step,
        grid=(STEPS,),
        in_specs=[
            pl.BlockSpec((B, DPS * ED), lambda d: (0, d)),
            pl.BlockSpec((DPS, K, ED), lambda d: (d, 0, 0)),
            pl.BlockSpec((B, DC), lambda d: (0, 0)),
            pl.BlockSpec((DPS, 1, K), lambda d: (d, 0, 0)),
        ],
        out_specs=[
            pl.BlockSpec((B, DPS * K), lambda d: (0, d)),
            pl.BlockSpec((B, DPS * ED), lambda d: (0, d)),
        ],
        out_shape=[
            jax.ShapeDtypeStruct((B, DC * K), jnp.float32),
            jax.ShapeDtypeStruct((B, CW_DIM), jnp.float32),
        ],
    )(cw_q, codebook, x2, c2)

    one_hot = oh_flat.reshape(B, DC, K)
    return (cw, one_hot)

# --- scband reference (transcript-rebuilt; emitter-appended) ---
"""Pipeline reference for scband-vqvae-88682484728326 (READ-ONLY COPY).

The authoritative reference and input builder live on the scoring server;
editing this copy changes nothing except your own understanding.
"""

import jax, jax.numpy as jnp
import numpy as np

BATCH = 256
CW_DIM = 2048
EMBED_DIM = 64
BOOK_SIZE = 1024
DIM_CODES = CW_DIM // EMBED_DIM  # 32


def setup_inputs(seed: int = 0) -> dict:
    key = jax.random.key(seed)
    k1, k2 = jax.random.split(key)
    cw_q = jax.random.normal(k1, (BATCH, CW_DIM), dtype=jnp.float32)
    codebook = jax.random.normal(k2, (DIM_CODES, BOOK_SIZE, EMBED_DIM), dtype=jnp.float32)
    return {"cw_q": cw_q, "codebook": codebook}


def reference(cw_q, codebook):
    # VQVAE.quantise + TransferGrad straight-through estimator.
    batch = cw_q.shape[0]
    # x.view(batch*dim_codes, 1, embedding_dim) vs codebook.repeat(batch,1,1)
    x = cw_q.reshape(batch, DIM_CODES, EMBED_DIM)
    # square_distance(x, book) = |x|^2 - 2 x.y + |y|^2, per (batch, dim_code) slot
    x2 = jnp.sum(x * x, axis=-1)                      # [B, dc]
    c2 = jnp.sum(codebook * codebook, axis=-1)        # [dc, K]
    xc = jnp.einsum('bde,dke->bdk', x, codebook)      # [B, dc, K]
    dist = x2[:, :, None] - 2.0 * xc + c2[None, :, :] # [B, dc, K]
    idx = jnp.argmin(dist, axis=-1)                   # [B, dc]
    # get_quantised_code: gather selected code vectors from the per-slot books
    cw_e = codebook[jnp.arange(DIM_CODES)[None, :], idx]  # [B, dc, ed]
    cw_e = cw_e.reshape(batch, CW_DIM)
    # one-hot assignment (computed in torch forward; returned alongside)
    one_hot_idx = jax.nn.one_hot(idx, BOOK_SIZE, dtype=jnp.float32)  # [B, dc, K]
    # TransferGrad: forward value is cw_e, gradient flows to cw_q
    cw = cw_q + jax.lax.stop_gradient(cw_e - cw_q)
    return (cw, one_hot_idx)

if __name__ == "__main__":
    import jax
    _d = setup_inputs()
    print(jax.jit(kernel)(*tuple(_d.values())))

</pallas_src>

<mosaic_0001>
module attributes {stable_mosaic.version = 14 : i64} {
  func.func @_vq_step(%arg0: i32, %arg1: memref<256x128xf32, #tpu.memory_space<vmem>>, %arg2: memref<2x1024x64xf32, #tpu.memory_space<vmem>>, %arg3: memref<256x32xf32, #tpu.memory_space<vmem>>, %arg4: memref<2x1x1024xf32, #tpu.memory_space<vmem>>, %arg5: memref<256x2048xf32, #tpu.memory_space<vmem>>, %arg6: memref<256x128xf32, #tpu.memory_space<vmem>>) attributes {dimension_semantics = [#tpu.dimension_semantics<arbitrary>], iteration_bounds = array<i64: 16>, scalar_prefetch = 0 : i64, scratch_operands = 0 : i64, tpu.core_type = #tpu.core_type<tc>, window_params = [{transform_indices = @transform_0, window_bounds = array<i64: 256, 128>}, {transform_indices = @transform_1, window_bounds = array<i64: 2, 1024, 64>}, {pipeline_mode = #tpu.pipeline_mode<synchronous>, transform_indices = @transform_2, window_bounds = array<i64: 256, 32>}, {transform_indices = @transform_3, window_bounds = array<i64: 2, 1, 1024>}, {transform_indices = @transform_4, window_bounds = array<i64: 256, 2048>}, {transform_indices = @transform_5, window_bounds = array<i64: 256, 128>}]} {
    %iota3A = tpu.iota {dimensions = array<i32: 0>} : vector<32x2xi32>
    %iota3A_0 = tpu.iota {dimensions = array<i32: 1>} : vector<32x2xi32>
    %mul3A = arith.constant 2 : i32
    %mul3A_1 = arith.muli %mul3A, %arg0 : i32
    %add3A = vector.broadcast %mul3A_1 : i32 to vector<32x2xi32>
    %add3A_2 = arith.addi %add3A, %iota3A_0 : vector<32x2xi32>
    %eq3A = arith.cmpi eq, %iota3A, %add3A_2 : vector<32x2xi32>
    %convert_element_type3A = arith.extui %eq3A : vector<32x2xi1> to vector<32x2xi32>
    %convert_element_type3A_3 = arith.sitofp %convert_element_type3A : vector<32x2xi32> to vector<32x2xf32>
    %get3A = arith.constant 0 : index
    %get3A_4 = arith.constant 0 : index
    %get3A_5 = vector.load %arg3[%get3A, %get3A_4] : memref<256x32xf32, #tpu.memory_space<vmem>>, vector<256x32xf32>
    %dot_general3A = arith.constant dense<0.000000e+00> : vector<256x2xf32>
    %dot_general3A_6 = tpu.matmul %get3A_5, %convert_element_type3A_3, %dot_general3A {dimension_numbers = #tpu.dot_dimension_numbers<[1], [0], [0], [1], [0, 0, 1, 1], [], []>, precision = #tpu.contract_precision<fp32>, transpose_lhs_hint = false} : vector<256x32xf32>, vector<32x2xf32>, vector<256x2xf32> -> vector<256x2xf32>
    %iota3A_7 = tpu.iota {dimensions = array<i32: 1>} : vector<256x1024xi32>
    %get3A_8 = arith.constant 0 : index
    %get3A_9 = arith.constant 0 : index
    %get3A_10 = vector.load %arg1[%get3A_8, %get3A_9] : memref<256x128xf32, #tpu.memory_space<vmem>>, vector<256x64xf32>
    %get3A_11 = arith.constant 0 : index
    %get3A_12 = arith.constant 0 : index
    %get3A_13 = arith.constant 0 : index
    %get3A_14 = vector.load %arg2[%get3A_11, %get3A_12, %get3A_13] : memref<2x1024x64xf32, #tpu.memory_space<vmem>>, vector<1x1024x64xf32>
    %get3A_15 = vector.shape_cast %get3A_14 : vector<1x1024x64xf32> to vector<1024x64xf32>
    %get3A_16 = arith.constant 0 : index
    %get3A_17 = arith.constant 0 : index
    %get3A_18 = arith.constant 0 : index
    %get3A_19 = vector.load %arg4[%get3A_16, %get3A_17, %get3A_18] : memref<2x1x1024xf32, #tpu.memory_space<vmem>>, vector<1x1x1024xf32>
    %get3A_20 = vector.shape_cast %get3A_19 : vector<1x1x1024xf32> to vector<1x1024xf32>
    %dot_general3A_21 = arith.constant dense<0.000000e+00> : vector<256x1024xf32>
    %dot_general3A_22 = tpu.matmul %get3A_10, %get3A_15, %dot_general3A_21 {dimension_numbers = #tpu.dot_dimension_numbers<[1], [1], [0], [0], [0, 0, 1, 0], [], []>, transpose_lhs_hint = false} : vector<256x64xf32>, vector<1024x64xf32>, vector<256x1024xf32> -> vector<256x1024xf32>
    %slice3A = vector.extract_strided_slice %dot_general3A_6 {offsets = [0, 0], sizes = [256, 1], strides = [1, 1]} : vector<256x2xf32> to vector<256x1xf32>
    %mul3A_23 = arith.constant 2.000000e+00 : f32
    %mul3A_24 = vector.broadcast %mul3A_23 : f32 to vector<256x1024xf32>
    %mul3A_25 = arith.mulf %mul3A_24, %dot_general3A_22 : vector<256x1024xf32>
    %sub3A = vector.broadcast %slice3A : vector<256x1xf32> to vector<256x1024xf32>
    %sub3A_26 = arith.subf %sub3A, %mul3A_25 : vector<256x1024xf32>
    %add3A_27 = vector.broadcast %get3A_20 : vector<1x1024xf32> to vector<256x1024xf32>
    %add3A_28 = arith.addf %sub3A_26, %add3A_27 : vector<256x1024xf32>
    %reduce_min3A = arith.constant dense<0x7F800000> : vector<256xf32>
    %reduce_min3A_29 = vector.multi_reduction <minimumf>, %add3A_28, %reduce_min3A [1] : vector<256x1024xf32> to vector<256xf32>
    %broadcast_in_dim3A = vector.shape_cast %reduce_min3A_29 : vector<256xf32> to vector<256x1xf32>
    %eq3A_30 = vector.broadcast %broadcast_in_dim3A : vector<256x1xf32> to vector<256x1024xf32>
    %eq3A_31 = arith.cmpf oeq, %add3A_28, %eq3A_30 : vector<256x1024xf32>
    %jit3A = arith.constant 1024 : i32
    %broadcast_in_dim3A_32 = vector.broadcast %jit3A : i32 to vector<256x1024xi32>
    %select_n3A = arith.select %eq3A_31, %iota3A_7, %broadcast_in_dim3A_32 : vector<256x1024xi1>, vector<256x1024xi32>
    %reduce_min3A_33 = arith.constant dense<2147483647> : vector<256xi32>
    %reduce_min3A_34 = vector.multi_reduction <minsi>, %select_n3A, %reduce_min3A_33 [1] : vector<256x1024xi32> to vector<256xi32>
    %broadcast_in_dim3A_35 = vector.shape_cast %reduce_min3A_34 : vector<256xi32> to vector<256x1xi32>
    %eq3A_36 = vector.broadcast %broadcast_in_dim3A_35 : vector<256x1xi32> to vector<256x1024xi32>
    %eq3A_37 = arith.cmpi eq, %iota3A_7, %eq3A_36 : vector<256x1024xi32>
    %convert_element_type3A_38 = arith.extui %eq3A_37 : vector<256x1024xi1> to vector<256x1024xi32>
    %convert_element_type3A_39 = arith.sitofp %convert_element_type3A_38 : vector<256x1024xi32> to vector<256x1024xf32>
    %swap3A = arith.constant 0 : index
    %swap3A_40 = arith.constant 0 : index
    %swap3A_41 = vector.load %arg5[%swap3A, %swap3A_40] : memref<256x2048xf32, #tpu.memory_space<vmem>>, vector<256x1024xf32>
    tpu.vector_store %arg5[%swap3A, %swap3A_40], %convert_element_type3A_39 {strides = array<i32>} : memref<256x2048xf32, #tpu.memory_space<vmem>>, vector<256x1024xf32>,
    %dot_general3A_42 = arith.constant dense<0.000000e+00> : vector<256x64xf32>
    %dot_general3A_43 = tpu.matmul %convert_element_type3A_39, %get3A_15, %dot_general3A_42 {dimension_numbers = #tpu.dot_dimension_numbers<[1], [0], [0], [1], [0, 0, 1, 1], [], []>, transpose_lhs_hint = false} : vector<256x1024xf32>, vector<1024x64xf32>, vector<256x64xf32> -> vector<256x64xf32>
    %sub3A_44 = arith.subf %dot_general3A_43, %get3A_10 : vector<256x64xf32>
    %add3A_45 = arith.addf %get3A_10, %sub3A_44 : vector<256x64xf32>
    %swap3A_46 = arith.constant 0 : index
    %swap3A_47 = arith.constant 0 : index
    %swap3A_48 = vector.load %arg6[%swap3A_46, %swap3A_47] : memref<256x128xf32, #tpu.memory_space<vmem>>, vector<256x64xf32>
    tpu.vector_store %arg6[%swap3A_46, %swap3A_47], %add3A_45 {strides = array<i32>} : memref<256x128xf32, #tpu.memory_space<vmem>>, vector<256x64xf32>,
    %get3A_49 = arith.constant 0 : index
    %get3A_50 = arith.constant 64 : index
    %get3A_51 = vector.load %arg1[%get3A_49, %get3A_50] : memref<256x128xf32, #tpu.memory_space<vmem>>, vector<256x64xf32>
    %get3A_52 = arith.constant 1 : index
    %get3A_53 = arith.constant 0 : index
    %get3A_54 = arith.constant 0 : index
    %get3A_55 = vector.load %arg2[%get3A_52, %get3A_53, %get3A_54] : memref<2x1024x64xf32, #tpu.memory_space<vmem>>, vector<1x1024x64xf32>
    %get3A_56 = vector.shape_cast %get3A_55 : vector<1x1024x64xf32> to vector<1024x64xf32>
    %get3A_57 = arith.constant 1 : index
    %get3A_58 = arith.constant 0 : index
    %get3A_59 = arith.constant 0 : index
    %get3A_60 = vector.load %arg4[%get3A_57, %get3A_58, %get3A_59] : memref<2x1x1024xf32, #tpu.memory_space<vmem>>, vector<1x1x1024xf32>
    %get3A_61 = vector.shape_cast %get3A_60 : vector<1x1x1024xf32> to vector<1x1024xf32>
    %dot_general3A_62 = arith.constant dense<0.000000e+00> : vector<256x1024xf32>
    %dot_general3A_63 = tpu.matmul %get3A_51, %get3A_56, %dot_general3A_62 {dimension_numbers = #tpu.dot_dimension_numbers<[1], [1], [0], [0], [0, 0, 1, 0], [], []>, transpose_lhs_hint = false} : vector<256x64xf32>, vector<1024x64xf32>, vector<256x1024xf32> -> vector<256x1024xf32>
    %slice3A_64 = vector.extract_strided_slice %dot_general3A_6 {offsets = [0, 1], sizes = [256, 1], strides = [1, 1]} : vector<256x2xf32> to vector<256x1xf32>
    %mul3A_65 = arith.constant 2.000000e+00 : f32
    %mul3A_66 = vector.broadcast %mul3A_65 : f32 to vector<256x1024xf32>
    %mul3A_67 = arith.mulf %mul3A_66, %dot_general3A_63 : vector<256x1024xf32>
    %sub3A_68 = vector.broadcast %slice3A_64 : vector<256x1xf32> to vector<256x1024xf32>
    %sub3A_69 = arith.subf %sub3A_68, %mul3A_67 : vector<256x1024xf32>
    %add3A_70 = vector.broadcast %get3A_61 : vector<1x1024xf32> to vector<256x1024xf32>
    %add3A_71 = arith.addf %sub3A_69, %add3A_70 : vector<256x1024xf32>
    %reduce_min3A_72 = arith.constant dense<0x7F800000> : vector<256xf32>
    %reduce_min3A_73 = vector.multi_reduction <minimumf>, %add3A_71, %reduce_min3A_72 [1] : vector<256x1024xf32> to vector<256xf32>
    %broadcast_in_dim3A_74 = vector.shape_cast %reduce_min3A_73 : vector<256xf32> to vector<256x1xf32>
    %eq3A_75 = vector.broadcast %broadcast_in_dim3A_74 : vector<256x1xf32> to vector<256x1024xf32>
    %eq3A_76 = arith.cmpf oeq, %add3A_71, %eq3A_75 : vector<256x1024xf32>
    %jit3A_77 = arith.constant 1024 : i32
    %broadcast_in_dim3A_78 = vector.broadcast %jit3A_77 : i32 to vector<256x1024xi32>
    %select_n3A_79 = arith.select %eq3A_76, %iota3A_7, %broadcast_in_dim3A_78 : vector<256x1024xi1>, vector<256x1024xi32>
    %reduce_min3A_80 = arith.constant dense<2147483647> : vector<256xi32>
    %reduce_min3A_81 = vector.multi_reduction <minsi>, %select_n3A_79, %reduce_min3A_80 [1] : vector<256x1024xi32> to vector<256xi32>
    %broadcast_in_dim3A_82 = vector.shape_cast %reduce_min3A_81 : vector<256xi32> to vector<256x1xi32>
    %eq3A_83 = vector.broadcast %broadcast_in_dim3A_82 : vector<256x1xi32> to vector<256x1024xi32>
    %eq3A_84 = arith.cmpi eq, %iota3A_7, %eq3A_83 : vector<256x1024xi32>
    %convert_element_type3A_85 = arith.extui %eq3A_84 : vector<256x1024xi1> to vector<256x1024xi32>
    %convert_element_type3A_86 = arith.sitofp %convert_element_type3A_85 : vector<256x1024xi32> to vector<256x1024xf32>
    %swap3A_87 = arith.constant 0 : index
    %swap3A_88 = arith.constant 1024 : index
    %swap3A_89 = vector.load %arg5[%swap3A_87, %swap3A_88] : memref<256x2048xf32, #tpu.memory_space<vmem>>, vector<256x1024xf32>
    tpu.vector_store %arg5[%swap3A_87, %swap3A_88], %convert_element_type3A_86 {strides = array<i32>} : memref<256x2048xf32, #tpu.memory_space<vmem>>, vector<256x1024xf32>,
    %dot_general3A_90 = arith.constant dense<0.000000e+00> : vector<256x64xf32>
    %dot_general3A_91 = tpu.matmul %convert_element_type3A_86, %get3A_56, %dot_general3A_90 {dimension_numbers = #tpu.dot_dimension_numbers<[1], [0], [0], [1], [0, 0, 1, 1], [], []>, transpose_lhs_hint = false} : vector<256x1024xf32>, vector<1024x64xf32>, vector<256x64xf32> -> vector<256x64xf32>
    %sub3A_92 = arith.subf %dot_general3A_91, %get3A_51 : vector<256x64xf32>
    %add3A_93 = arith.addf %get3A_51, %sub3A_92 : vector<256x64xf32>
    %swap3A_94 = arith.constant 0 : index
    %swap3A_95 = arith.constant 64 : index
    %swap3A_96 = vector.load %arg6[%swap3A_94, %swap3A_95] : memref<256x128xf32, #tpu.memory_space<vmem>>, vector<256x64xf32>
    tpu.vector_store %arg6[%swap3A_94, %swap3A_95], %add3A_93 {strides = array<i32>} : memref<256x128xf32, #tpu.memory_space<vmem>>, vector<256x64xf32>,
    return
  }
  func.func @transform_0(%arg0: i32) -> (i32, i32) {
    %c0_i32 = arith.constant 0 : i32
    %c0_i32_0 = arith.constant 0 : i32
    return %c0_i32, %arg0 : i32, i32
  }
  func.func @transform_1(%arg0: i32) -> (i32, i32, i32) {
    %c0_i32 = arith.constant 0 : i32
    %c0_i32_0 = arith.constant 0 : i32
    %c0_i32_1 = arith.constant 0 : i32
    return %arg0, %c0_i32, %c0_i32_0 : i32, i32, i32
  }
  func.func @transform_2(%arg0: i32) -> (i32, i32) {
    %c0_i32 = arith.constant 0 : i32
    %c0_i32_0 = arith.constant 0 : i32
    %c0_i32_1 = arith.constant 0 : i32
    return %c0_i32, %c0_i32_0 : i32, i32
  }
  func.func @transform_3(%arg0: i32) -> (i32, i32, i32) {
    %c0_i32 = arith.constant 0 : i32
    %c0_i32_0 = arith.constant 0 : i32
    %c0_i32_1 = arith.constant 0 : i32
    return %arg0, %c0_i32, %c0_i32_0 : i32, i32, i32
  }
  func.func @transform_4(%arg0: i32) -> (i32, i32) {
    %c0_i32 = arith.constant 0 : i32
    %c0_i32_0 = arith.constant 0 : i32
    return %c0_i32, %arg0 : i32, i32
  }
  func.func @transform_5(%arg0: i32) -> (i32, i32) {
    %c0_i32 = arith.constant 0 : i32
    %c0_i32_0 = arith.constant 0 : i32
    return %c0_i32, %arg0 : i32, i32
  }
}

</mosaic_0001>

<sc_bundles>
// kernel: sparse-core-data-format-call.cloned.1.call-start
scs
called_computation_lowered:
.L_overlay_start_0:
0x0: {  	s2 =	sld [smem:$0x3FD9]  }
0x1: {  	s3 =	sld [smem:$0x3FFE];
	_ =	sdelay $0x1  }
0x2: {  	s1 =	srdreg.scid  }
0x3: {  	s0 =	sand.u32 $0x1, s1  }
0x4: {  	s15 =	sshll.u32 s0, $0xA;
	s2 =	sadd.s32 s3, s2  }
0x5: {  	s2 =	sadd.s32 s2, s15  }
0x6: {  	[smem:$0x3FC6] =	sst s2  }
0x7: {  	_ = 	snop  }
0x8: {  	s2 =	sld [smem:$0x3FD0];
	_ =	sdelay $0x2  }
0x9: {  	s16 =	simm.s32 $0xA;
	s4 =	simm.s32 $0x10  }
0xa: {  	[smem:s4], [sflag:s16] =	dma.local [hbm:s2], $0x1  }
0xb: {  	_ =	swait.eq [sflag:s16], $0x1  }
0xc: {  	[sflag:s16] =	ssyncset.done $0x0  }
0xd: {  	[sflag:s16] =	ssyncadd.s32 $0xFFFFFFFF  }
0xe: {  	s17 =	sld [smem:$0x11];
	(tm) =	ssettm $0x1  }
0xf: {  	s18 =	sld [smem:$0x3FFB];
	_ =	sdelay $0x3  }
0x10: {  	_ =	strace s18  }
0x11: {  	s3 =	sld [smem:$0x3FFC];
	_ =	sdelay $0x3  }
0x12: {  	_ =	strace s3  }
0x13: {  	s3 =	sld [smem:$0x3FFD];
	_ =	sdelay $0x3  }
0x14: {  	_ =	strace s3  }
0x15: {  	_ =	strace $0x8FFFFFFF  }
0x16: {  	s19 =	sld [smem:$0x3FDB];
	_ =	sdelay $0x1  }
0x17: {  	s20 =	simm.s32 $_scs_section_size  }
0x18: {  	s5 =	simm.s32 $_size__tile_overlayer_lowered;
	s6 =	simm.s32 $_tile_overlayer_lowered  }
0x19: {  	s23 =	simm.s32 $0x1BFF;
	s22 =	sshll.u32 s6, $0x1;
	s3 =	sadd.s32 s20, s19  }
0x1a: {  	s7 =	simm.s32 $0x0;
	s21 =	sshll.u32 s5, $0x1;
	s5 =	sadd.s32 s22, s3  }
0x1b: {  	[timem:s7], [sflag:s23] =	dma.local [hbm:s5], s21  }
0x1c: {  	_ =	swait.ge [sflag:s23], s21  }
0x1d: {  	s4 =	ssub.s32 $0x0, s21;
	[sflag:s23] =	ssyncset.done $0x0  }
0x1e: {  	[sflag:s23] =	ssyncadd.s32 s4;
	_ =	sdelay $0x1  }
0x1f: {  	s24 =	simm.s32 $0x1B8B  }
0x20: {  	_ =	swait.ge [sflag:s24], $0x1  }
0x21: {  	[sflag:s24] =	ssyncset.done $0x0  }
0x22: {  	s26 =	simm.s32 $0x1B8E;
	s25 =	sld [smem:$0x3FFE];
	[sflag:s24] =	ssyncadd.s32 $0xFFFFFFFF  }
0x23: {  	s27 =	simm.s32 $execute0_lowered;
	[smem:$0x3FD2] =	sst s26  }
0x24: {  	s5 =	sshll.u32 s27, $0x1;
	_ =	strace $0x80000046;
	[dreg:$0x1] =	wrdreg $0xFFFFFFFF  }
0x25: {  	s28 =	simm.s32 $_size_execute0_lowered;
	s3 =	sadd.s32 s3, s5;
	[dreg:$0x0] =	wrdreg $0x0  }
0x26: {  	s5 =	sshll.u32 s28, $0x1;
	[dreg:$0x2] =	wrdreg s3  }
0x27: {  	[dreg:$0x3] =	wrdreg s5  }
0x28: {  	[dreg:$0x4] =	wrdreg $0xC0  }
0x29: {  	_ =	task [dreg:s7], $0x5FFFF  }
0x2a: {  	[dreg:$0x1] =	wrdreg $0xFFFFFFFF  }
0x2b: {  	[dreg:$0x0] =	wrdreg $0x60  }
0x2c: {  	[dreg:$0x2] =	wrdreg s25  }
0x2d: {  	[dreg:$0x3] =	wrdreg s17  }
0x2e: {  	[dreg:$0x4] =	wrdreg $0x9  }
0x2f: {  	_ =	task.clear_ibuf [dreg:s7], $0x5FFFF;
	_ =	strace $0x90000046  }
0x30: {  	s29 =	simm.s32 $0x9;
	_ =	strace $0x80000048  }
0x31: {  	_ =	swait.ge [sflag:s29], $0x1  }
0x32: {  	[sflag:s29] =	ssyncadd.s32 $0xFFFFFFFF  }
0x33: {  	_ =	strace $0x90000048  }
0x34: {  	_ =	sfence  }
0x35: {  	s30 =	sld [smem:$0x0];
	_ =	sdelay $0x2  }
0x36: {  	s31 =	sshll.u32 s1, $0xD;
	s1 =	sshrl.u32 s1, $0x2  }
0x37: {  	s3 =	sand.u32 $0x4000, s31;
	s1 =	sadd.s32 s1, s30  }
0x38: {  	s0 =	sor.u32 s3, s0;
	s1 =	sshll.u32 s1, $0x11  }
0x39: {  	s0 =	sor.u32 s1, s0  }
0x3a: {  	s0 =	sadd.s32 $0x8F2B, s0  }
0x3b: {  	[sflag:s0] =	ssyncadd.remote.s32 $0x1  }
0x3c: {  	_ =	sfence.sel $0xFFFF  }
0x3d: {  	[dreg:$0x0] =	wrdreg $0xFFFFFFFF;
	(pc) =	sbr.abs _section_cstart, $3  }
0x3e: {  	[dreg:$0x1] =	wrdreg $0xFFFFFFFF  }
0x3f: {  	_ =	task.clear_ibuf [dreg:s7], $0x2FFFF;
	_ =	strace $0x9FFFFFFF  }
0x40: {  	(tm) =	ssettm $0x7FFFFFFF  }
0x41: {  	_ =	shalt  }
tec
execute0_lowered:
.L_overlay_start_1:
0x0: {  	(tag) =	ssettag $0x1  }
0x1: {  	s2 =	rddreg [dreg:$0x0]  }
0x2: {  	s3 =	rddreg [dreg:$0x1]  }
0x3: {  	s0 =	rddreg [dreg:$0x2];
	_ =	strace $0x80000047;
	s4 =	srdreg.scid  }
0x4: {  	s1 =	stileid.u32;
	s6 =	simm.s32 $0x2;
	s12 =	simm.s32 $0x0  }
0x5: {  	p0 =	por $0x0, $0x0;
	s13 =	simm.s32 $0x0;
	s15 =	simm.s32 $0x0  }
.Ltmp0:
0x6: {  	s14 =	simm.s32 $0x0;
	s8 =	simm.s32 $0x0;
	(pc) =	sbr.rel .LBB1_1-.Ltmp0, $4  }
0x7: {  	s9 =	simm.s32 $0x0;
	s10 =	simm.s32 $0x0;
	s5 =	sshll.u32 s4, $0x4  }
0x8: {  	s7 =	simm.s32 $0x0;
	s4 =	simm.s32 $0x1;
	s5 =	sand.u32 $0x10, s5  }
0x9: {  	s21 =	simm.s32 $0x0;
	[sflag:s4] =	ssyncpa.u1 $0x0;
	s5 =	sor.u32 s1, s5  }
0xa: {  	[sflag:s6] =	ssyncpa.u1 $0x0;
	s6 =	simm.s32 $0x8000;
	s11 =	smov.u32 s5  }
.LBB1_7:
0xb: {  	s16 =	sadd.s32 $0x100, s8  }
0xc: {  	s12 =	sadd.s32 $0x8, s9;
	s17 =	smov.u32 s9;
	p2 =	sgt.s32 s16, $0x3FF  }
0xd: {  	s17 =	smov.u32 @p2 s12  }
0xe: {  	s18 =	smov.u32 s10;
	s12 =	sadd.s32 $0x8, s10;
	p3 =	sgt.s32 s17, $0x7  }
0xf: {  	s18 =	smov.u32 @p3 s12  }
0x10: {  	s19 =	smov.u32 s11;
	s12 =	sadd.s32 $0x20, s11;
	p4 =	sgt.s32 s18, $0x1F  }
0x11: {  	p1 =	slt.u32 s7, $0x2;
	s19 =	smov.u32 @p4 s12  }
0x12: {  	s7 =	sadd.s32 $0x1, s7;
	s16 =	simm.s32 @p2 $0x0;
	p2 =	sgt.s32 s19, $0x1F  }
0x13: {  	s20 =	simm.s32 @!p1 $0x2;
	s19 =	smov.u32 @p2 s5;
	p2 =	sne.s32 s7, $0x12  }
.Ltmp1:
0x14: {  	s13 =	smov.u32 s9;
	_ =	swait.ge @!p1 [sflag:s20], $0x4000;
	(pc) =	sbr.rel @!p2 .LBB1_8-.Ltmp1, $4  }
0x15: {  	s15 =	smov.u32 s10;
	s14 =	smov.u32 s11;
	[sflag:s20] =	ssyncset.done @!p1 $0x0  }
0x16: {  	p0 =	por !p0, !p0;
	s17 =	simm.s32 @p3 $0x0;
	[sflag:s20] =	ssyncadd.s32 @!p1 $0xFFFFC000  }
0x17: {  	s9 =	smov.u32 s17;
	s18 =	simm.s32 @p4 $0x0;
	s12 =	smov.u32 s8  }
0x18: {  	s8 =	smov.u32 s16;
	s10 =	smov.u32 s18;
	s11 =	smov.u32 s19  }
.LBB1_1:
0x19: {  	p1 =	sgt.u32 s7, $0xF  }
0x1a: {  	s16 =	sxor.u32 @!p1 $0xFFFFFFFF, s7  }
0x1b: {  	s17 =	sshll.u32 @!p1 s9, $0x7;
	s18 =	sand.u32 @!p1 $0x78, s8;
	s19 =	sshll.u32 @!p1 s11, $0xF  }
0x1c: {  	s20 =	sand.u32 @!p1 $0x380, s8;
	s16 =	sshll.u32 @!p1 s16, $0xE;
	s17 =	sand.u32 @!p1 $0x380, s17  }
0x1d: {  	s19 =	sadd.s32 @!p1 s2, s19;
	s17 =	sor.u32 @!p1 s18, s17;
	s18 =	sshll.u32 @!p1 s10, $0xA  }
0x1e: {  	s16 =	sand.u32 @!p1 $0x4000, s16;
	s18 =	sadd.s32 @!p1 s18, s19;
	s19 =	sand.u32 @!p1 $0x7, s8  }
0x1f: {  	s17 =	sshrl.u32 @!p1 s17, $0x3;
	s18 =	sadd.s32 @!p1 s20, s18;
	s19 =	sshll.u32 @!p1 s19, $0x12  }
0x20: {  	s17 =	sadd.s32 @!p1 s17, s18;
	s18 =	sor.u32 @!p1 $0x800, s19;
	s19 =	simm.s32 @!p1 $0x2000  }
0x21: {  	[tilespmem:s16], [sflag:$0x1] =	stream.strided.gather @!p1 [hbm4b:s17+s18], $0x4000, s19, s18, $0x38;
	[tilespmem:$0x10000] =	vst v63  }
0x22: {  	p1 =	seq.s32 s7, $0x0  }
0x23: {  	p2 =	seq.s32 @!p1 s7, $0x11  }
0x24: {  	p1 =	por p1, p2  }
.Ltmp2:
0x25: {  	_ = 	snop;
	(pc) =	sbr.rel @p1 .LBB1_7-.Ltmp2, $1  }
0x26: {  	_ =	sdelay $0x3  }
0x27: {  	s16 =	simm.s32 $0x1  }
0x28: {  	_ =	swait.ge [sflag:s4], $0x4000;
	s31 =	sshll.u32 s7, $0xE;
	p1 =	por $0x0, $0x0  }
0x29: {  	s22 =	simm.s32 $0x0;
	s23 =	simm.s32 $0x0;
	s16 =	simm.s32 @!p0 $0x0  }
0x2a: {  	[sflag:s4] =	ssyncset.done $0x0;
	s19 =	sand.u32 $0x4000, s31;
	s16 =	sshll.u32 s16, $0x10  }
0x2b: {  	[sflag:s4] =	ssyncadd.s32 $0xFFFFC000;
	s20 =	sshrl.u32 s16, $0x2;
	s16 =	sor.u32 $0x8000, s19  }
0x2c: {  	s17 =	sor.u32 $0x40, s20;
	s18 =	sor.u32 $0x8410, s20;
	s20 =	sadd.s32 $0x8400, s20  }
.LBB1_3:
0x2d: {  	v1 =	vld [tilespmem:s17+$0xFFFFFFD0]  }
0x2e: {  	v2 =	vld [tilespmem:s17+$0x430]  }
0x2f: {  	s24 =	sshll.u32 s23, $0xB;
	v4 =	vld [tilespmem:s17+$0xFFFFFFE0]  }
0x30: {  	v7 =	vld [tilespmem:s17+$0xFFFFFFF0];
	v0 =	vmov s24  }
0x31: {  	v8 =	vld [tilespmem:s17+$0x0]  }
0x32: {  	s30 =	sand.u32 $0x300, s21;
	v9 =	vld [tilespmem:s17+$0x10]  }
0x33: {  	s25 =	sand.u32 $0x80, s21;
	v10 =	vld [tilespmem:s17+$0x20];
	s24 =	sadd.s32 s30, s19  }
0x34: {  	v11 =	vld [tilespmem:s17+$0x30];
	s24 =	sadd.s32 s25, s24;
	s25 =	simm.s32 $0x1;
	[tilespmem:s18+$0x60] =	vst v2  }
0x35: {  	s31 =	sshll.u32 s22, $0x2;
	s25 =	simm.s32 @!p1 $0x0;
	[tilespmem:s18+$0xFFFFFC00] =	vst v1;
	v3 =	vld.idx.msk [tilespmem:v0+s24+$0x400 ss:$0x1], $0xffff  }
0x36: {  	v6 =	vld [tilespmem:s17+$0x3D0];
	s25 =	sshll.u32 s25, $0x9;
	[tilespmem:s18+$0xFFFFFC10] =	vst v4;
	s24 =	sand.u32 $0xFFFFFC00, s31  }
0x37: {  	v5 =	vld [tilespmem:s17+$0x3E0];
	[tilespmem:s18+$0xFFFFFC20] =	vst v7;
	s24 =	sor.u32 s25, s24  }
0x38: {  	[tilespmem:s18+$0xFFFFFC30] =	vst v8;
	v4 =	vld [tilespmem:s17+$0x400];
	s24 =	sshrl.u32 s24, $0x2  }
0x39: {  	[tilespmem:s18+$0xFFFFFC40] =	vst v9;
	v1 =	vld [tilespmem:s17+$0x410];
	s24 =	sadd.s32 s24, s20  }
0x3a: {  	[tilespmem:s24+$0x0] =	vst v3;
	v3 =	vld [tilespmem:s17+$0x3F0]  }
0x3b: {  	s28 =	simm.s32 $0x80;
	s27 =	simm.s32 $0x100;
	[tilespmem:s18+$0xFFFFFC50] =	vst v10;
	v2 =	vld [tilespmem:s17+$0x420]  }
0x3c: {  	s26 =	smov.u32 s18;
	s29 =	sand.u32 $0x300, s28;
	v7 =	vld [tilespmem:s17+$0xFFFFFFC0];
	[tilespmem:s18+$0xFFFFFC60] =	vst v11;
	s25 =	sadd.s32 $0x80, s17  }
.LBB1_4:
0x3d: {  	p2 =	sne.s32 s27, $0x380;
	v8 =	vld [tilespmem:s25+$0xFFFFFFD0];
	s28 =	sand.u32 $0x80, s28;
	s29 =	sadd.s32 s29, s19;
	[tilespmem:s26+$0x0] =	vst v6  }
0x3e: {  	s29 =	sadd.s32 s28, s29;
	v6 =	vld [tilespmem:s25+$0x430];
	[tilespmem:s26+$0x10] =	vst v5;
	s28 =	smov.u32 s27  }
0x3f: {  	v5 =	vld.idx.msk [tilespmem:v0+s29+$0x400 ss:$0x1], $0xffff;
	[tilespmem:s26+$0x20] =	vst v3  }
0x40: {  	v3 =	vld [tilespmem:s25+$0xFFFFFFE0];
	[tilespmem:s26+$0x30] =	vst v4  }
0x41: {  	v4 =	vld [tilespmem:s25+$0xFFFFFFF0];
	[tilespmem:s26+$0xFFFFFBF0] =	vst v7  }
0x42: {  	v7 =	vld [tilespmem:s25+$0x0];
	[tilespmem:s26+$0x40] =	vst v1  }
0x43: {  	v1 =	vld [tilespmem:s25+$0x10];
	[tilespmem:s26+$0x50] =	vst v2;
	s26 =	sadd.s32 $0x800, s26  }
0x44: {  	s24 =	sadd.s32 $0x800, s24;
	v2 =	vld [tilespmem:s25+$0x20];
	[tilespmem:s26+$0x60] =	vst v6  }
0x45: {  	v9 =	vld [tilespmem:s25+$0x30];
	[tilespmem:s24+$0x0] =	vst v5  }
0x46: {  	[tilespmem:s26+$0xFFFFFC00] =	vst v8;
	v6 =	vld [tilespmem:s25+$0x3D0]  }
0x47: {  	[tilespmem:s26+$0xFFFFFC10] =	vst v3;
	v5 =	vld [tilespmem:s25+$0x3E0]  }
.Ltmp3:
0x48: {  	[tilespmem:s26+$0xFFFFFC20] =	vst v4;
	v3 =	vld [tilespmem:s25+$0x3F0];
	(pc) =	sbr.rel @p2 .LBB1_4-.Ltmp3, $4  }
0x49: {  	[tilespmem:s26+$0xFFFFFC30] =	vst v7;
	v4 =	vld [tilespmem:s25+$0x400]  }
0x4a: {  	[tilespmem:s26+$0xFFFFFC40] =	vst v1;
	v1 =	vld [tilespmem:s25+$0x410]  }
0x4b: {  	[tilespmem:s26+$0xFFFFFC50] =	vst v2;
	v2 =	vld [tilespmem:s25+$0x420]  }
0x4c: {  	s27 =	sadd.s32 $0x80, s27;
	s29 =	sand.u32 $0x300, s28;
	v7 =	vld [tilespmem:s25+$0xFFFFFFC0];
	[tilespmem:s26+$0xFFFFFC60] =	vst v9;
	s25 =	sadd.s32 $0x80, s25  }
0x4d: {  	[tilespmem:s26+$0x0] =	vst v6  }
0x4e: {  	[tilespmem:s26+$0x10] =	vst v5  }
0x4f: {  	v49 =	vld [tilespmem:s25+$0x430];
	[tilespmem:s26+$0x20] =	vst v3  }
0x50: {  	v50 =	vld [tilespmem:s25+$0xFFFFFFD0];
	[tilespmem:s26+$0x30] =	vst v4  }
0x51: {  	v51 =	vld [tilespmem:s25+$0xFFFFFFE0];
	[tilespmem:s26+$0x40] =	vst v1  }
0x52: {  	v52 =	vld [tilespmem:s25+$0xFFFFFFF0];
	[tilespmem:s26+$0x50] =	vst v2  }
0x53: {  	s31 =	sadd.s32 $0x800, s26;
	v53 =	vld [tilespmem:s25+$0x0];
	[tilespmem:s26+$0xFFFFFBF0] =	vst v7  }
0x54: {  	v54 =	vld [tilespmem:s25+$0x10];
	[tilespmem:s31+$0x60] =	vst v49  }
0x55: {  	v55 =	vld [tilespmem:s25+$0x20];
	[tilespmem:s31+$0xFFFFFC00] =	vst v50  }
0x56: {  	v56 =	vld [tilespmem:s25+$0x30];
	[tilespmem:s31+$0xFFFFFC10] =	vst v51  }
0x57: {  	v57 =	vld [tilespmem:s25+$0x3D0];
	[tilespmem:s31+$0xFFFFFC20] =	vst v52  }
0x58: {  	v58 =	vld [tilespmem:s25+$0x3E0];
	[tilespmem:s31+$0xFFFFFC30] =	vst v53  }
0x59: {  	v59 =	vld [tilespmem:s25+$0x3F0];
	[tilespmem:s31+$0xFFFFFC40] =	vst v54  }
0x5a: {  	v60 =	vld [tilespmem:s25+$0x400];
	[tilespmem:s31+$0xFFFFFC50] =	vst v55  }
0x5b: {  	v61 =	vld [tilespmem:s25+$0xFFFFFFC0];
	[tilespmem:s31+$0xFFFFFC60] =	vst v56  }
0x5c: {  	s27 =	sand.u32 $0x80, s28;
	s30 =	sadd.s32 s29, s19;
	v62 =	vld [tilespmem:s25+$0x410];
	[tilespmem:s31+$0x0] =	vst v57  }
0x5d: {  	v63 =	vld [tilespmem:s25+$0x420];
	s23 =	sadd.s32 $0x1, s23;
	s27 =	sadd.s32 s27, s30;
	[tilespmem:s31+$0x10] =	vst v58  }
0x5e: {  	p2 =	sne.s32 s23, $0x8;
	v0 =	vld.idx.msk [tilespmem:v0+s27+$0x400 ss:$0x1], $0xffff;
	[tilespmem:s31+$0x20] =	vst v59  }
.Ltmp4:
0x5f: {  	[tilespmem:s31+$0x30] =	vst v60;
	(pc) =	sbr.rel @p2 .LBB1_3-.Ltmp4, $4  }
0x60: {  	[tilespmem:s31+$0xFFFFFBF0] =	vst v61  }
0x61: {  	[tilespmem:s31+$0x40] =	vst v62  }
0x62: {  	s24 =	sadd.s32 $0x800, s24;
	s17 =	sadd.s32 $0x800, s17;
	[tilespmem:s31+$0x50] =	vst v63  }
0x63: {  	s22 =	sadd.s32 $0x80, s22;
	p1 =	por !p1, !p1;
	s18 =	sadd.s32 $0x80, s18;
	[tilespmem:s24+$0x0] =	vst v0  }
0x64: {  	s15 =	sshll.u32 s15, $0x7  }
0x65: {  	s17 =	sand.u32 $0x78, s12;
	s14 =	sshll.u32 s14, $0xF;
	s13 =	sshll.u32 s13, $0xC  }
0x66: {  	s30 =	sand.u32 $0x7, s12;
	s18 =	sand.u32 $0x380, s15;
	s15 =	sand.u32 $0xC00, s15  }
.Ltmp5:
0x67: {  	s14 =	sadd.s32 s3, s14;
	s17 =	sor.u32 s18, s17;
	(pc) =	sbr.rel .LBB1_7-.Ltmp5, $4  }
0x68: {  	s15 =	sadd.s32 s12, s15;
	s13 =	sadd.s32 s13, s14;
	s17 =	sshrl.u32 s17, $0x3  }
0x69: {  	s12 =	sshll.u32 s30, $0x12;
	s31 =	sand.u32 $0xF80, s15;
	s13 =	sadd.s32 s17, s13  }
0x6a: {  	s12 =	sor.u32 $0x800, s12;
	s13 =	sadd.s32 s31, s13  }
0x6b: {  	[hbm4b:s13+s12] =	stream.strided.scatter [tilespmem:s16], [sflag:$0x2], $0x4000, s6, s12, $0x38;
	[tilespmem:$0x10000] =	vst v63  }
.LBB1_8:
0x6c: {  	_ =	sfence.sel $0x180000  }
0x6d: {  	s2 =	simm.s32 $0x1;
	[bflag:$0x0] =	sbarrier.arrive $0xFFFF  }
0x6e: {  	s31 =	simm.s32 $0x2;
	[sflag:s2] =	ssyncpa.u1 $0x1  }
0x6f: {  	[sflag:s31] =	ssyncpa.u1 $0x1  }
0x70: {  	p0 =	sne.s32 s1, $0x0;
	_ =	strace $0x90000047  }
0x71: {  	s0 =	sadd.s32 @!p0 $0x100000, s0;
	[bflag:$0x2] =	sbarrier.arrive $0xFFFF  }
0x72: {  	[sflag:s0] =	ssyncadd.tile.s32 @!p0 $0x1;
	_ =	shalt  }
.Lfunc_end1:
_tile_overlayer_lowered:
.L_overlay_start_2:
0x73: {  	(tag) =	ssettag $0x2  }
0x74: {  	s0 =	rddreg [dreg:$0x0];
	s2 =	stileid.u32  }
0x75: {  	s1 =	rddreg [dreg:$0x1];
	p0 =	sne.s32 s2, $0x0  }
0x76: {  	s3 =	rddreg [dreg:$0x2];
	[bflag:$0x3] =	sbarrier.arrive $0xFFFF;
	s2 =	simm.s32 @!p0 $0x1C01  }
0x77: {  	[timem:s3], [sflag:s2] =	dma.local @!p0 [hbm:s0], s1  }
0x78: {  	s0 =	simm.s32 @!p0 $0x1  }
0x79: {  	_ =	swait.ge @!p0 [sflag:s0], s1  }
0x7a: {  	s1 =	ssub.s32 @!p0 $0x0, s1;
	[sflag:s0] =	ssyncset.done @!p0 $0x0  }
0x7b: {  	[sflag:s0] =	ssyncadd.s32 @!p0 s1  }
0x7c: {  	[bflag:$0x3] =	sbarrier.arrive $0xFFFF  }
0x7d: {  	_ =	shalt  }

</sc_bundles>
